<compile_context>
chip_gen: v7x
topology: tpu7x:2x2x1
jax: 0.10.2.dev20260603
libtpu: 0.0.44.dev20260713+nightly
codegen_flags: <defaults>
</compile_context>

<pallas_src>
import functools

import jax
import jax.numpy as jnp
from jax import lax
from jax.experimental import pallas as pl

N = 10000
NPAD = 10240
D = 128
K = 10
ALPHA = 3.0
NEG = -3e38
BIGI = 2**30

RB = 512
OB = 400


def _transform_body(x_ref, w_ref, b_ref, t_ref):
    x = x_ref[...]
    w = w_ref[...]
    b = b_ref[...]
    y = lax.dot_general(x, w, (((1,), (1,)), ((), ())),
                        preferred_element_type=jnp.float32)
    t_ref[...] = jnp.tanh(ALPHA * (y + b))


NF = 8
FW = NPAD // NF


def _thresh_body(t_blk_ref, t_all_ref, tau_ref):
    t_blk = t_blk_ref[...]
    t_all = t_all_ref[...]
    sim = lax.dot_general(t_blk, t_all, (((1,), (1,)), ((), ())),
                          preferred_element_type=jnp.float32)
    s = [sim[:, k * FW:(k + 1) * FW] for k in range(NF)]
    lam = lax.broadcasted_iota(jnp.int32, (RB, FW), 1)
    s[NF - 1] = jnp.where(lam < N - (NF - 1) * FW, s[NF - 1], NEG)
    m1 = jnp.maximum(s[0], s[1])
    m2 = jnp.minimum(s[0], s[1])
    for k in range(2, NF):
        m2 = jnp.maximum(m2, jnp.minimum(m1, s[k]))
        m1 = jnp.maximum(m1, s[k])
    cand = jnp.concatenate([m1, m2], axis=1)
    m = jnp.max(cand, axis=1, keepdims=True)
    for _ in range(K - 1):
        m = jnp.max(jnp.where(cand < m, cand, NEG), axis=1, keepdims=True)
    tau_ref[...] = m.reshape(1, RB)


def _hmask_body(t_blk_ref, t_all_ref, tau_ref, h_ref):
    t_blk = t_blk_ref[...]
    t_all = t_all_ref[...]
    sim = lax.dot_general(t_blk, t_all, (((1,), (1,)), ((), ())),
                          preferred_element_type=jnp.float32)
    tau = tau_ref[0, :N]
    hit = sim[:, :N] >= tau[None, :]
    h_ref[...] = jnp.where(hit, jnp.float32(1.0), jnp.float32(0.0))


@jax.jit
def kernel(idx, emb_weight, lin_w, lin_b):
    x = jnp.take(emb_weight, idx, axis=0)
    x = jnp.pad(x, ((0, NPAD - N), (0, 0)))
    b2 = lin_b.reshape(1, D)

    t_all = pl.pallas_call(
        _transform_body,
        out_shape=jax.ShapeDtypeStruct((NPAD, D), jnp.float32),
    )(x, lin_w, b2)

    tau = pl.pallas_call(
        _thresh_body,
        grid=(NPAD // RB,),
        in_specs=[
            pl.BlockSpec((RB, D), lambda i: (i, 0)),
            pl.BlockSpec((NPAD, D), lambda i: (0, 0)),
        ],
        out_specs=pl.BlockSpec((1, RB), lambda i: (0, i)),
        out_shape=jax.ShapeDtypeStruct((1, NPAD), jnp.float32),
    )(t_all, t_all)

    h_t = pl.pallas_call(
        _hmask_body,
        grid=(N // OB,),
        in_specs=[
            pl.BlockSpec((OB, D), lambda i: (i, 0)),
            pl.BlockSpec((NPAD, D), lambda i: (0, 0)),
            pl.BlockSpec((1, NPAD), lambda i: (0, 0)),
        ],
        out_specs=pl.BlockSpec((OB, N), lambda i: (i, 0)),
        out_shape=jax.ShapeDtypeStruct((N, N), jnp.float32),
    )(t_all, t_all, tau)

    return h_t

# --- scband reference (transcript-rebuilt; emitter-appended) ---
"""Pipeline reference for scband-hypergraph-constructor-62577673503459 (READ-ONLY COPY).

The authoritative reference and input builder live on the scoring server;
editing this copy changes nothing except your own understanding.
"""

import jax, jax.numpy as jnp
import numpy as np

NNODES = 10000
DIM = 128
K = 10  # scale_hyperedges, min(scale_hyperedges, nnodes)
ALPHA = 3.0


def setup_inputs(seed: int = 0) -> dict:
    key = jax.random.key(seed)
    k1, k2, k3 = jax.random.split(key, 3)
    idx = jnp.arange(NNODES, dtype=jnp.int32)
    # nn.Embedding default init: N(0, 1)
    emb_weight = jax.random.normal(k1, (NNODES, DIM), dtype=jnp.float32)
    # nn.Linear default init: U(-1/sqrt(fan_in), 1/sqrt(fan_in))
    bound = 1.0 / np.sqrt(DIM)
    lin_w = jax.random.uniform(k2, (DIM, DIM), dtype=jnp.float32, minval=-bound, maxval=bound)
    lin_b = jax.random.uniform(k3, (DIM,), dtype=jnp.float32, minval=-bound, maxval=bound)
    return {"idx": idx, "emb_weight": emb_weight, "lin_w": lin_w, "lin_b": lin_b}


def reference(idx, emb_weight, lin_w, lin_b):
    # node_features = self.emb1(idx)
    node_features = jnp.take(emb_weight, idx, axis=0)
    # transformed_features = tanh(alpha * lin1(node_features))
    transformed = jnp.tanh(ALPHA * (node_features @ lin_w.T + lin_b))
    # fallback branch: sim = X X^T ; topk per row ; scatter ones into H ; transpose
    sim = transformed @ transformed.T
    _, top_indices = jax.lax.top_k(sim, K)
    H = jnp.zeros((NNODES, NNODES), dtype=transformed.dtype)
    row_ids = jnp.arange(NNODES, dtype=jnp.int32)[:, None]
    H = H.at[row_ids, top_indices].set(1.0)
    return H.T

if __name__ == "__main__":
    import jax
    _d = setup_inputs()
    print(jax.jit(kernel)(*tuple(_d.values())))

</pallas_src>

<mosaic_0001>
module attributes {stable_mosaic.version = 14 : i64} {
  func.func @_transform_body(%arg0: memref<10240x128xf32, #tpu.memory_space<vmem>>, %arg1: memref<128x128xf32, #tpu.memory_space<vmem>>, %arg2: memref<1x128xf32, #tpu.memory_space<vmem>>, %arg3: memref<10240x128xf32, #tpu.memory_space<vmem>>) attributes {dimension_semantics = [], scalar_prefetch = 0 : i64, scratch_operands = 0 : i64, tpu.core_type = #tpu.core_type<tc>} {
    %get3A = arith.constant 0 : index
    %get3A_0 = arith.constant 0 : index
    %get3A_1 = vector.load %arg0[%get3A, %get3A_0] : memref<10240x128xf32, #tpu.memory_space<vmem>>, vector<10240x128xf32>
    %get3A_2 = arith.constant 0 : index
    %get3A_3 = arith.constant 0 : index
    %get3A_4 = vector.load %arg1[%get3A_2, %get3A_3] : memref<128x128xf32, #tpu.memory_space<vmem>>, vector<128x128xf32>
    %get3A_5 = arith.constant 0 : index
    %get3A_6 = arith.constant 0 : index
    %get3A_7 = vector.load %arg2[%get3A_5, %get3A_6] : memref<1x128xf32, #tpu.memory_space<vmem>>, vector<1x128xf32>
    %dot_general3A = arith.constant dense<0.000000e+00> : vector<10240x128xf32>
    %dot_general3A_8 = tpu.matmul %get3A_1, %get3A_4, %dot_general3A {dimension_numbers = #tpu.dot_dimension_numbers<[1], [1], [0], [0], [0, 0, 1, 0], [], []>, transpose_lhs_hint = false} : vector<10240x128xf32>, vector<128x128xf32>, vector<10240x128xf32> -> vector<10240x128xf32>
    %add3A = vector.broadcast %get3A_7 : vector<1x128xf32> to vector<10240x128xf32>
    %add3A_9 = arith.addf %dot_general3A_8, %add3A : vector<10240x128xf32>
    %mul3A = arith.constant 3.000000e+00 : f32
    %mul3A_10 = vector.broadcast %mul3A : f32 to vector<10240x128xf32>
    %mul3A_11 = arith.mulf %mul3A_10, %add3A_9 : vector<10240x128xf32>
    %tanh3A = math.tanh %mul3A_11 : vector<10240x128xf32>
    %swap3A = arith.constant 0 : index
    %swap3A_12 = arith.constant 0 : index
    %swap3A_13 = vector.load %arg3[%swap3A, %swap3A_12] : memref<10240x128xf32, #tpu.memory_space<vmem>>, vector<10240x128xf32>
    tpu.vector_store %arg3[%swap3A, %swap3A_12], %tanh3A {strides = array<i32>} : memref<10240x128xf32, #tpu.memory_space<vmem>>, vector<10240x128xf32>,
    return
  }
}

module attributes {stable_mosaic.version = 14 : i64} {
  func.func @_thresh_body(%arg0: i32, %arg1: memref<512x128xf32, #tpu.memory_space<vmem>>, %arg2: memref<10240x128xf32, #tpu.memory_space<vmem>>, %arg3: memref<1x512xf32, #tpu.memory_space<vmem>>) attributes {dimension_semantics = [#tpu.dimension_semantics<arbitrary>], iteration_bounds = array<i64: 20>, scalar_prefetch = 0 : i64, scratch_operands = 0 : i64, tpu.core_type = #tpu.core_type<tc>, window_params = [{transform_indices = @transform_0, window_bounds = array<i64: 512, 128>}, {pipeline_mode = #tpu.pipeline_mode<synchronous>, transform_indices = @transform_1, window_bounds = array<i64: 10240, 128>}, {transform_indices = @transform_2, window_bounds = array<i64: 1, 512>}]} {
    %get3A = arith.constant 0 : index
    %get3A_0 = arith.constant 0 : index
    %get3A_1 = vector.load %arg1[%get3A, %get3A_0] : memref<512x128xf32, #tpu.memory_space<vmem>>, vector<512x128xf32>
    %get3A_2 = arith.constant 0 : index
    %get3A_3 = arith.constant 0 : index
    %get3A_4 = vector.load %arg2[%get3A_2, %get3A_3] : memref<10240x128xf32, #tpu.memory_space<vmem>>, vector<10240x128xf32>
    %dot_general3A = arith.constant dense<0.000000e+00> : vector<512x10240xf32>
    %dot_general3A_5 = tpu.matmul %get3A_1, %get3A_4, %dot_general3A {dimension_numbers = #tpu.dot_dimension_numbers<[1], [1], [0], [0], [0, 0, 1, 0], [], []>, transpose_lhs_hint = false} : vector<512x128xf32>, vector<10240x128xf32>, vector<512x10240xf32> -> vector<512x10240xf32>
    %slice3A = vector.extract_strided_slice %dot_general3A_5 {offsets = [0, 0], sizes = [512, 1280], strides = [1, 1]} : vector<512x10240xf32> to vector<512x1280xf32>
    %slice3A_6 = vector.extract_strided_slice %dot_general3A_5 {offsets = [0, 1280], sizes = [512, 1280], strides = [1, 1]} : vector<512x10240xf32> to vector<512x1280xf32>
    %slice3A_7 = vector.extract_strided_slice %dot_general3A_5 {offsets = [0, 2560], sizes = [512, 1280], strides = [1, 1]} : vector<512x10240xf32> to vector<512x1280xf32>
    %slice3A_8 = vector.extract_strided_slice %dot_general3A_5 {offsets = [0, 3840], sizes = [512, 1280], strides = [1, 1]} : vector<512x10240xf32> to vector<512x1280xf32>
    %slice3A_9 = vector.extract_strided_slice %dot_general3A_5 {offsets = [0, 5120], sizes = [512, 1280], strides = [1, 1]} : vector<512x10240xf32> to vector<512x1280xf32>
    %slice3A_10 = vector.extract_strided_slice %dot_general3A_5 {offsets = [0, 6400], sizes = [512, 1280], strides = [1, 1]} : vector<512x10240xf32> to vector<512x1280xf32>
    %slice3A_11 = vector.extract_strided_slice %dot_general3A_5 {offsets = [0, 7680], sizes = [512, 1280], strides = [1, 1]} : vector<512x10240xf32> to vector<512x1280xf32>
    %slice3A_12 = vector.extract_strided_slice %dot_general3A_5 {offsets = [0, 8960], sizes = [512, 1280], strides = [1, 1]} : vector<512x10240xf32> to vector<512x1280xf32>
    %iota3A = tpu.iota {dimensions = array<i32: 1>} : vector<512x1280xi32>
    %lt3A = arith.constant 1040 : i32
    %lt3A_13 = vector.broadcast %lt3A : i32 to vector<512x1280xi32>
    %lt3A_14 = arith.cmpi slt, %iota3A, %lt3A_13 : vector<512x1280xi32>
    %jit3A = arith.constant -3.000000e+38 : f32
    %broadcast_in_dim3A = vector.broadcast %jit3A : f32 to vector<512x1280xf32>
    %select_n3A = arith.select %lt3A_14, %slice3A_12, %broadcast_in_dim3A : vector<512x1280xi1>, vector<512x1280xf32>
    %max3A = arith.maximumf %slice3A, %slice3A_6 : vector<512x1280xf32>
    %min3A = arith.minimumf %slice3A, %slice3A_6 : vector<512x1280xf32>
    %min3A_15 = arith.minimumf %max3A, %slice3A_7 : vector<512x1280xf32>
    %max3A_16 = arith.maximumf %min3A, %min3A_15 : vector<512x1280xf32>
    %max3A_17 = arith.maximumf %max3A, %slice3A_7 : vector<512x1280xf32>
    %min3A_18 = arith.minimumf %max3A_17, %slice3A_8 : vector<512x1280xf32>
    %max3A_19 = arith.maximumf %max3A_16, %min3A_18 : vector<512x1280xf32>
    %max3A_20 = arith.maximumf %max3A_17, %slice3A_8 : vector<512x1280xf32>
    %min3A_21 = arith.minimumf %max3A_20, %slice3A_9 : vector<512x1280xf32>
    %max3A_22 = arith.maximumf %max3A_19, %min3A_21 : vector<512x1280xf32>
    %max3A_23 = arith.maximumf %max3A_20, %slice3A_9 : vector<512x1280xf32>
    %min3A_24 = arith.minimumf %max3A_23, %slice3A_10 : vector<512x1280xf32>
    %max3A_25 = arith.maximumf %max3A_22, %min3A_24 : vector<512x1280xf32>
    %max3A_26 = arith.maximumf %max3A_23, %slice3A_10 : vector<512x1280xf32>
    %min3A_27 = arith.minimumf %max3A_26, %slice3A_11 : vector<512x1280xf32>
    %max3A_28 = arith.maximumf %max3A_25, %min3A_27 : vector<512x1280xf32>
    %max3A_29 = arith.maximumf %max3A_26, %slice3A_11 : vector<512x1280xf32>
    %min3A_30 = arith.minimumf %max3A_29, %select_n3A : vector<512x1280xf32>
    %max3A_31 = arith.maximumf %max3A_28, %min3A_30 : vector<512x1280xf32>
    %max3A_32 = arith.maximumf %max3A_29, %select_n3A : vector<512x1280xf32>
    %concatenate3A = tpu.concatenate %max3A_32, %max3A_31 in 1 : vector<512x1280xf32>, vector<512x1280xf32> -> vector<512x2560xf32>
    %reduce_max3A = arith.constant dense<0xFF800000> : vector<512xf32>
    %reduce_max3A_33 = vector.multi_reduction <maximumf>, %concatenate3A, %reduce_max3A [1] : vector<512x2560xf32> to vector<512xf32>
    %broadcast_in_dim3A_34 = vector.shape_cast %reduce_max3A_33 : vector<512xf32> to vector<512x1xf32>
    %lt3A_35 = vector.broadcast %broadcast_in_dim3A_34 : vector<512x1xf32> to vector<512x2560xf32>
    %lt3A_36 = arith.cmpf olt, %concatenate3A, %lt3A_35 : vector<512x2560xf32>
    %jit3A_37 = arith.constant -3.000000e+38 : f32
    %broadcast_in_dim3A_38 = vector.broadcast %jit3A_37 : f32 to vector<512x2560xf32>
    %select_n3A_39 = arith.select %lt3A_36, %concatenate3A, %broadcast_in_dim3A_38 : vector<512x2560xi1>, vector<512x2560xf32>
    %reduce_max3A_40 = arith.constant dense<0xFF800000> : vector<512xf32>
    %reduce_max3A_41 = vector.multi_reduction <maximumf>, %select_n3A_39, %reduce_max3A_40 [1] : vector<512x2560xf32> to vector<512xf32>
    %broadcast_in_dim3A_42 = vector.shape_cast %reduce_max3A_41 : vector<512xf32> to vector<512x1xf32>
    %lt3A_43 = vector.broadcast %broadcast_in_dim3A_42 : vector<512x1xf32> to vector<512x2560xf32>
    %lt3A_44 = arith.cmpf olt, %concatenate3A, %lt3A_43 : vector<512x2560xf32>
    %jit3A_45 = arith.constant -3.000000e+38 : f32
    %broadcast_in_dim3A_46 = vector.broadcast %jit3A_45 : f32 to vector<512x2560xf32>
    %select_n3A_47 = arith.select %lt3A_44, %concatenate3A, %broadcast_in_dim3A_46 : vector<512x2560xi1>, vector<512x2560xf32>
    %reduce_max3A_48 = arith.constant dense<0xFF800000> : vector<512xf32>
    %reduce_max3A_49 = vector.multi_reduction <maximumf>, %select_n3A_47, %reduce_max3A_48 [1] : vector<512x2560xf32> to vector<512xf32>
    %broadcast_in_dim3A_50 = vector.shape_cast %reduce_max3A_49 : vector<512xf32> to vector<512x1xf32>
    %lt3A_51 = vector.broadcast %broadcast_in_dim3A_50 : vector<512x1xf32> to vector<512x2560xf32>
    %lt3A_52 = arith.cmpf olt, %concatenate3A, %lt3A_51 : vector<512x2560xf32>
    %jit3A_53 = arith.constant -3.000000e+38 : f32
    %broadcast_in_dim3A_54 = vector.broadcast %jit3A_53 : f32 to vector<512x2560xf32>
    %select_n3A_55 = arith.select %lt3A_52, %concatenate3A, %broadcast_in_dim3A_54 : vector<512x2560xi1>, vector<512x2560xf32>
    %reduce_max3A_56 = arith.constant dense<0xFF800000> : vector<512xf32>
    %reduce_max3A_57 = vector.multi_reduction <maximumf>, %select_n3A_55, %reduce_max3A_56 [1] : vector<512x2560xf32> to vector<512xf32>
    %broadcast_in_dim3A_58 = vector.shape_cast %reduce_max3A_57 : vector<512xf32> to vector<512x1xf32>
    %lt3A_59 = vector.broadcast %broadcast_in_dim3A_58 : vector<512x1xf32> to vector<512x2560xf32>
    %lt3A_60 = arith.cmpf olt, %concatenate3A, %lt3A_59 : vector<512x2560xf32>
    %jit3A_61 = arith.constant -3.000000e+38 : f32
    %broadcast_in_dim3A_62 = vector.broadcast %jit3A_61 : f32 to vector<512x2560xf32>
    %select_n3A_63 = arith.select %lt3A_60, %concatenate3A, %broadcast_in_dim3A_62 : vector<512x2560xi1>, vector<512x2560xf32>
    %reduce_max3A_64 = arith.constant dense<0xFF800000> : vector<512xf32>
    %reduce_max3A_65 = vector.multi_reduction <maximumf>, %select_n3A_63, %reduce_max3A_64 [1] : vector<512x2560xf32> to vector<512xf32>
    %broadcast_in_dim3A_66 = vector.shape_cast %reduce_max3A_65 : vector<512xf32> to vector<512x1xf32>
    %lt3A_67 = vector.broadcast %broadcast_in_dim3A_66 : vector<512x1xf32> to vector<512x2560xf32>
    %lt3A_68 = arith.cmpf olt, %concatenate3A, %lt3A_67 : vector<512x2560xf32>
    %jit3A_69 = arith.constant -3.000000e+38 : f32
    %broadcast_in_dim3A_70 = vector.broadcast %jit3A_69 : f32 to vector<512x2560xf32>
    %select_n3A_71 = arith.select %lt3A_68, %concatenate3A, %broadcast_in_dim3A_70 : vector<512x2560xi1>, vector<512x2560xf32>
    %reduce_max3A_72 = arith.constant dense<0xFF800000> : vector<512xf32>
    %reduce_max3A_73 = vector.multi_reduction <maximumf>, %select_n3A_71, %reduce_max3A_72 [1] : vector<512x2560xf32> to vector<512xf32>
    %broadcast_in_dim3A_74 = vector.shape_cast %reduce_max3A_73 : vector<512xf32> to vector<512x1xf32>
    %lt3A_75 = vector.broadcast %broadcast_in_dim3A_74 : vector<512x1xf32> to vector<512x2560xf32>
    %lt3A_76 = arith.cmpf olt, %concatenate3A, %lt3A_75 : vector<512x2560xf32>
    %jit3A_77 = arith.constant -3.000000e+38 : f32
    %broadcast_in_dim3A_78 = vector.broadcast %jit3A_77 : f32 to vector<512x2560xf32>
    %select_n3A_79 = arith.select %lt3A_76, %concatenate3A, %broadcast_in_dim3A_78 : vector<512x2560xi1>, vector<512x2560xf32>
    %reduce_max3A_80 = arith.constant dense<0xFF800000> : vector<512xf32>
    %reduce_max3A_81 = vector.multi_reduction <maximumf>, %select_n3A_79, %reduce_max3A_80 [1] : vector<512x2560xf32> to vector<512xf32>
    %broadcast_in_dim3A_82 = vector.shape_cast %reduce_max3A_81 : vector<512xf32> to vector<512x1xf32>
    %lt3A_83 = vector.broadcast %broadcast_in_dim3A_82 : vector<512x1xf32> to vector<512x2560xf32>
    %lt3A_84 = arith.cmpf olt, %concatenate3A, %lt3A_83 : vector<512x2560xf32>
    %jit3A_85 = arith.constant -3.000000e+38 : f32
    %broadcast_in_dim3A_86 = vector.broadcast %jit3A_85 : f32 to vector<512x2560xf32>
    %select_n3A_87 = arith.select %lt3A_84, %concatenate3A, %broadcast_in_dim3A_86 : vector<512x2560xi1>, vector<512x2560xf32>
    %reduce_max3A_88 = arith.constant dense<0xFF800000> : vector<512xf32>
    %reduce_max3A_89 = vector.multi_reduction <maximumf>, %select_n3A_87, %reduce_max3A_88 [1] : vector<512x2560xf32> to vector<512xf32>
    %broadcast_in_dim3A_90 = vector.shape_cast %reduce_max3A_89 : vector<512xf32> to vector<512x1xf32>
    %lt3A_91 = vector.broadcast %broadcast_in_dim3A_90 : vector<512x1xf32> to vector<512x2560xf32>
    %lt3A_92 = arith.cmpf olt, %concatenate3A, %lt3A_91 : vector<512x2560xf32>
    %jit3A_93 = arith.constant -3.000000e+38 : f32
    %broadcast_in_dim3A_94 = vector.broadcast %jit3A_93 : f32 to vector<512x2560xf32>
    %select_n3A_95 = arith.select %lt3A_92, %concatenate3A, %broadcast_in_dim3A_94 : vector<512x2560xi1>, vector<512x2560xf32>
    %reduce_max3A_96 = arith.constant dense<0xFF800000> : vector<512xf32>
    %reduce_max3A_97 = vector.multi_reduction <maximumf>, %select_n3A_95, %reduce_max3A_96 [1] : vector<512x2560xf32> to vector<512xf32>
    %broadcast_in_dim3A_98 = vector.shape_cast %reduce_max3A_97 : vector<512xf32> to vector<512x1xf32>
    %lt3A_99 = vector.broadcast %broadcast_in_dim3A_98 : vector<512x1xf32> to vector<512x2560xf32>
    %lt3A_100 = arith.cmpf olt, %concatenate3A, %lt3A_99 : vector<512x2560xf32>
    %jit3A_101 = arith.constant -3.000000e+38 : f32
    %broadcast_in_dim3A_102 = vector.broadcast %jit3A_101 : f32 to vector<512x2560xf32>
    %select_n3A_103 = arith.select %lt3A_100, %concatenate3A, %broadcast_in_dim3A_102 : vector<512x2560xi1>, vector<512x2560xf32>
    %reduce_max3A_104 = arith.constant dense<0xFF800000> : vector<512xf32>
    %reduce_max3A_105 = vector.multi_reduction <maximumf>, %select_n3A_103, %reduce_max3A_104 [1] : vector<512x2560xf32> to vector<512xf32>
    %broadcast_in_dim3A_106 = vector.shape_cast %reduce_max3A_105 : vector<512xf32> to vector<512x1xf32>
    %reshape3A = vector.shape_cast %broadcast_in_dim3A_106 : vector<512x1xf32> to vector<1x512xf32>
    %swap3A = arith.constant 0 : index
    %swap3A_107 = arith.constant 0 : index
    %swap3A_108 = vector.load %arg3[%swap3A, %swap3A_107] : memref<1x512xf32, #tpu.memory_space<vmem>>, vector<1x512xf32>
    tpu.vector_store %arg3[%swap3A, %swap3A_107], %reshape3A {strides = array<i32>} : memref<1x512xf32, #tpu.memory_space<vmem>>, vector<1x512xf32>,
    return
  }
  func.func @transform_0(%arg0: i32) -> (i32, i32) {
    %c0_i32 = arith.constant 0 : i32
    %c0_i32_0 = arith.constant 0 : i32
    return %arg0, %c0_i32 : i32, i32
  }
  func.func @transform_1(%arg0: i32) -> (i32, i32) {
    %c0_i32 = arith.constant 0 : i32
    %c0_i32_0 = arith.constant 0 : i32
    %c0_i32_1 = arith.constant 0 : i32
    return %c0_i32, %c0_i32_0 : i32, i32
  }
  func.func @transform_2(%arg0: i32) -> (i32, i32) {
    %c0_i32 = arith.constant 0 : i32
    %c0_i32_0 = arith.constant 0 : i32
    return %c0_i32, %arg0 : i32, i32
  }
}

module attributes {stable_mosaic.version = 14 : i64} {
  func.func @_hmask_body(%arg0: i32, %arg1: memref<400x128xf32, #tpu.memory_space<vmem>>, %arg2: memref<10240x128xf32, #tpu.memory_space<vmem>>, %arg3: memref<1x10240xf32, #tpu.memory_space<vmem>>, %arg4: memref<400x10000xf32, #tpu.memory_space<vmem>>) attributes {dimension_semantics = [#tpu.dimension_semantics<arbitrary>], iteration_bounds = array<i64: 25>, scalar_prefetch = 0 : i64, scratch_operands = 0 : i64, tpu.core_type = #tpu.core_type<tc>, window_params = [{transform_indices = @transform_0, window_bounds = array<i64: 400, 128>}, {pipeline_mode = #tpu.pipeline_mode<synchronous>, transform_indices = @transform_1, window_bounds = array<i64: 10240, 128>}, {pipeline_mode = #tpu.pipeline_mode<synchronous>, transform_indices = @transform_2, window_bounds = array<i64: 1, 10240>}, {transform_indices = @transform_3, window_bounds = array<i64: 400, 10000>}]} {
    %get3A = arith.constant 0 : index
    %get3A_0 = arith.constant 0 : index
    %get3A_1 = vector.load %arg1[%get3A, %get3A_0] : memref<400x128xf32, #tpu.memory_space<vmem>>, vector<400x128xf32>
    %get3A_2 = arith.constant 0 : index
    %get3A_3 = arith.constant 0 : index
    %get3A_4 = vector.load %arg2[%get3A_2, %get3A_3] : memref<10240x128xf32, #tpu.memory_space<vmem>>, vector<10240x128xf32>
    %dot_general3A = arith.constant dense<0.000000e+00> : vector<400x10240xf32>
    %dot_general3A_5 = tpu.matmul %get3A_1, %get3A_4, %dot_general3A {dimension_numbers = #tpu.dot_dimension_numbers<[1], [1], [0], [0], [0, 0, 1, 0], [], []>, transpose_lhs_hint = false} : vector<400x128xf32>, vector<10240x128xf32>, vector<400x10240xf32> -> vector<400x10240xf32>
    %get3A_6 = arith.constant 0 : index
    %get3A_7 = arith.constant 0 : index
    %get3A_8 = vector.load %arg3[%get3A_6, %get3A_7] : memref<1x10240xf32, #tpu.memory_space<vmem>>, vector<1x10000xf32>
    %get3A_9 = vector.shape_cast %get3A_8 : vector<1x10000xf32> to vector<10000xf32>
    %slice3A = vector.extract_strided_slice %dot_general3A_5 {offsets = [0, 0], sizes = [400, 10000], strides = [1, 1]} : vector<400x10240xf32> to vector<400x10000xf32>
    %broadcast_in_dim3A = vector.shape_cast %get3A_9 : vector<10000xf32> to vector<1x10000xf32>
    %ge3A = vector.broadcast %broadcast_in_dim3A : vector<1x10000xf32> to vector<400x10000xf32>
    %ge3A_10 = arith.cmpf oge, %slice3A, %ge3A : vector<400x10000xf32>
    %jit3A = arith.constant 1.000000e+00 : f32
    %jit3A_11 = arith.constant 0.000000e+00 : f32
    %broadcast_in_dim3A_12 = vector.broadcast %jit3A : f32 to vector<400x10000xf32>
    %broadcast_in_dim3A_13 = vector.broadcast %jit3A_11 : f32 to vector<400x10000xf32>
    %select_n3A = arith.select %ge3A_10, %broadcast_in_dim3A_12, %broadcast_in_dim3A_13 : vector<400x10000xi1>, vector<400x10000xf32>
    %swap3A = arith.constant 0 : index
    %swap3A_14 = arith.constant 0 : index
    %swap3A_15 = vector.load %arg4[%swap3A, %swap3A_14] : memref<400x10000xf32, #tpu.memory_space<vmem>>, vector<400x10000xf32>
    tpu.vector_store %arg4[%swap3A, %swap3A_14], %select_n3A {strides = array<i32>} : memref<400x10000xf32, #tpu.memory_space<vmem>>, vector<400x10000xf32>,
    return
  }
  func.func @transform_0(%arg0: i32) -> (i32, i32) {
    %c0_i32 = arith.constant 0 : i32
    %c0_i32_0 = arith.constant 0 : i32
    return %arg0, %c0_i32 : i32, i32
  }
  func.func @transform_1(%arg0: i32) -> (i32, i32) {
    %c0_i32 = arith.constant 0 : i32
    %c0_i32_0 = arith.constant 0 : i32
    %c0_i32_1 = arith.constant 0 : i32
    return %c0_i32, %c0_i32_0 : i32, i32
  }
  func.func @transform_2(%arg0: i32) -> (i32, i32) {
    %c0_i32 = arith.constant 0 : i32
    %c0_i32_0 = arith.constant 0 : i32
    %c0_i32_1 = arith.constant 0 : i32
    return %c0_i32, %c0_i32_0 : i32, i32
  }
  func.func @transform_3(%arg0: i32) -> (i32, i32) {
    %c0_i32 = arith.constant 0 : i32
    %c0_i32_0 = arith.constant 0 : i32
    return %arg0, %c0_i32 : i32, i32
  }
}

</mosaic_0001>

<sc_bundles>
// kernel: gather_offload_async_start
scs
__scs_entry_jumppad:
0x0: {  	(pc) =	sbr.rel $0x88, $3  }
0x1: {  	(tag) =	ssettag $0x0;
	lr =	simm.s32 $0x1  }
0x2: {  	[smem:$0x3F9D] =	sst lr;
	_ =	strace $0xD0000000  }
0x3: {  	_ = 	snop  }
0x4: {  	_ = 	snop  }
0x5: {  	_ = 	snop  }
0x6: {  	_ = 	snop  }
0x7: {  	_ = 	snop  }
__scs_overlays_trampoline_lowered:
0x8: {  	[smem:$0x3FAC] =	sst s0  }
0x9: {  	[smem:$0x3FAD] =	sst s1  }
0xa: {  	[smem:$0x3FAE] =	sst s2  }
0xb: {  	[smem:$0x3FAF] =	sst s3  }
0xc: {  	[smem:$0x3FB0] =	sst s4  }
0xd: {  	[smem:$0x3FB1] =	sst s5  }
0xe: {  	[smem:$0x3FB2] =	sst s6  }
0xf: {  	[smem:$0x3FB3] =	sst s7  }
0x10: {  	[smem:$0x3FB4] =	sst s8  }
0x11: {  	[smem:$0x3FB5] =	sst s9;
	s0 =	simm.s32 @!p0 $0x0  }
0x12: {  	s1 =	sld [smem:$0x3F9B];
	s0 =	simm.s32 @p0 $0x1  }
0x13: {  	[smem:$0x3FB6] =	sst s0;
	s0 =	simm.s32 @!p1 $0x0  }
0x14: {  	s2 =	sld [smem:$0x3F9A];
	s0 =	simm.s32 @p1 $0x1  }
0x15: {  	[smem:$0x3FB7] =	sst s0;
	s0 =	simm.s32 @!p2 $0x0  }
0x16: {  	s3 =	sld [smem:$0x3FDB];
	s0 =	simm.s32 @p2 $0x1  }
0x17: {  	s4 =	simm.s32 $0x1BF5;
	[smem:$0x3FB9] =	sst s0  }
0x18: {  	s0 =	sld [smem:$0x3F9C];
	_ =	swait.ge [sflag:s4], $0x0  }
0x19: {  	s7 =	sld [smem:$0x3F9D]  }
0x1a: {  	s8 =	sadd.s32 $0xFFFFE003, lr  }
0x1b: {  	s9 =	sadd.s32 $0xFFFFFEF7, lr;
	s5 =	simm.s32 $0xFFFFFFFF;
	p2 =	slt.u32 s8, $0xFFFFF086  }
0x1c: {  	p1 =	slt.u32 s9, $0xF7A;
	s5 =	simm.s32 @!p2 $0x0  }
0x1d: {  	s5 =	simm.s32 @p1 $0x1;
	p0 =	seq.s32 s7, s2  }
0x1e: {  	s7 =	smul.u32 @!p0 $0xF7A, s2;
	p2 =	seq.s32 @!p0 s5, $0x0  }
0x1f: {  	s9 =	smul.u32 $0xF7A, s1;
	s8 =	simm.s32 @!p0 $0x1BF5;
	p2 =	por !p2, p0  }
0x20: {  	[sflag:s8] =	ssyncset.s32 @!p0 $0xFFFFF086;
	s6 =	sadd.s32 @!p0 s3, s7;
	s7 =	simm.s32 @!p0 $0x108  }
0x21: {  	s3 =	sadd.s32 s3, s9;
	s6 =	sadd.s32 @!p0 $0x88, s6;
	s7 =	simm.s32 @p2 $0x1082  }
0x22: {  	[simem:s7], [sflag:s8] =	dma.local @!p0 [hbm:s6], $0xF7A  }
0x23: {  	s9 =	sor.u32 $0xD0000000, s2;
	s6 =	simm.s32 $0x108;
	_ =	swait.ge @!p0 [sflag:s8], $0x0  }
0x24: {  	s3 =	sadd.s32 $0x88, s3;
	s6 =	simm.s32 @!p1 $0x1082;
	[sflag:s4] =	ssyncset.s32 $0xFFFFF086  }
0x25: {  	[simem:s6], [sflag:s4] =	dma.local [hbm:s3], $0xF7A  }
0x26: {  	[smem:$0x3F9D] =	sst s1;
	(tag) =	ssettag s2;
	_ =	strace s9  }
0x27: {  	s1 =	sld [smem:$0x3FAD]  }
0x28: {  	s2 =	sld [smem:$0x3FAE]  }
0x29: {  	s4 =	sld [smem:$0x3FB0]  }
0x2a: {  	p0 =	seq.s32 s5, $0x0;
	s5 =	sld [smem:$0x3FB1]  }
0x2b: {  	s6 =	sld [smem:$0x3FB2]  }
0x2c: {  	s7 =	sld [smem:$0x3FB3]  }
0x2d: {  	s3 =	simm.s32 $0x108;
	s8 =	sld [smem:$0x3FB4]  }
0x2e: {  	s3 =	simm.s32 @!p0 $0x1082;
	s9 =	sld [smem:$0x3FB5]  }
0x2f: {  	lr =	sadd.s32 s0, s3;
	s0 =	sld [smem:$0x3FAC]  }
0x30: {  	s3 =	sld [smem:$0x3FAF]  }
0x31: {  	[smem:$0x3FB8] =	sst s10  }
0x32: {  	s10 =	sld [smem:$0x3FB6];
	_ =	sdelay $0x3  }
0x33: {  	p0 =	seq.s32 s10, $0x1;
	s10 =	sld [smem:$0x3FB8];
	_ =	sdelay $0x3  }
0x34: {  	[smem:$0x3FB8] =	sst s10  }
0x35: {  	s10 =	sld [smem:$0x3FB7];
	_ =	sdelay $0x3  }
0x36: {  	p1 =	seq.s32 s10, $0x1;
	s10 =	sld [smem:$0x3FB8];
	_ =	sdelay $0x3  }
0x37: {  	[smem:$0x3FB8] =	sst s10  }
0x38: {  	s10 =	sld [smem:$0x3FB9]  }
0x39: {  	_ = 	snop;
	(pc) =	sbr.ind lr, $3  }
0x3a: {  	_ = 	snop  }
0x3b: {  	_ = 	snop  }
0x3c: {  	p2 =	seq.s32 s10, $0x1;
	s10 =	sld [smem:$0x3FB8]  }
0x3d: {  	_ =	shalt  }
0x3e: {  	_ =	shalt  }
0x3f: {  	_ =	shalt  }
0x40: {  	_ =	shalt  }
0x41: {  	_ =	shalt  }
0x42: {  	_ =	shalt  }
0x43: {  	_ =	shalt  }
0x44: {  	_ =	shalt  }
0x45: {  	_ =	shalt  }
0x46: {  	_ =	shalt  }
0x47: {  	_ =	shalt  }
0x48: {  	_ =	shalt  }
0x49: {  	_ =	shalt  }
0x4a: {  	_ =	shalt  }
0x4b: {  	_ =	shalt  }
0x4c: {  	_ =	shalt  }
0x4d: {  	_ =	shalt  }
0x4e: {  	_ =	shalt  }
0x4f: {  	_ =	shalt  }
0x50: {  	_ =	shalt  }
0x51: {  	_ =	shalt  }
0x52: {  	_ =	shalt  }
0x53: {  	_ =	shalt  }
0x54: {  	_ =	shalt  }
0x55: {  	_ =	shalt  }
0x56: {  	_ =	shalt  }
0x57: {  	_ =	shalt  }
0x58: {  	_ =	shalt  }
0x59: {  	_ =	shalt  }
0x5a: {  	_ =	shalt  }
0x5b: {  	_ =	shalt  }
0x5c: {  	_ =	shalt  }
0x5d: {  	_ =	shalt  }
0x5e: {  	_ =	shalt  }
0x5f: {  	_ =	shalt  }
0x60: {  	_ =	shalt  }
0x61: {  	_ =	shalt  }
0x62: {  	_ =	shalt  }
0x63: {  	_ =	shalt  }
0x64: {  	_ =	shalt  }
0x65: {  	_ =	shalt  }
0x66: {  	_ =	shalt  }
0x67: {  	_ =	shalt  }
0x68: {  	_ =	shalt  }
0x69: {  	_ =	shalt  }
0x6a: {  	_ =	shalt  }
0x6b: {  	_ =	shalt  }
0x6c: {  	_ =	shalt  }
0x6d: {  	_ =	shalt  }
0x6e: {  	_ =	shalt  }
0x6f: {  	_ =	shalt  }
0x70: {  	_ =	shalt  }
0x71: {  	_ =	shalt  }
0x72: {  	_ =	shalt  }
0x73: {  	_ =	shalt  }
0x74: {  	_ =	shalt  }
0x75: {  	_ =	shalt  }
0x76: {  	_ =	shalt  }
0x77: {  	_ =	shalt  }
0x78: {  	_ =	shalt  }
0x79: {  	_ =	shalt  }
0x7a: {  	_ =	shalt  }
0x7b: {  	_ =	shalt  }
0x7c: {  	_ =	shalt  }
0x7d: {  	_ =	shalt  }
0x7e: {  	_ =	shalt  }
0x7f: {  	_ =	shalt  }
0x80: {  	_ =	shalt  }
0x81: {  	_ =	shalt  }
0x82: {  	_ =	shalt  }
0x83: {  	_ =	shalt  }
0x84: {  	_ =	shalt  }
0x85: {  	_ =	shalt  }
0x86: {  	_ =	shalt  }
0x87: {  	_ =	shalt  }
.Lfunc_end0:
.L_simem_size_0:
called_computation_lowered:
.L_overlay_start_0:
0x88: {  	s0 =	sld [smem:$0x3FD9]  }
0x89: {  	s1 =	sld [smem:$0x3FFE];
	_ =	sdelay $0x3  }
0x8a: {  	s0 =	sadd.s32 s1, s0  }
0x8b: {  	[smem:$0x3FC4] =	sst s0  }
0x8c: {  	_ = 	snop  }
0x8d: {  	s0 =	sld [smem:$0x3FC8]  }
0x8e: {  	s16 =	sld [smem:$0x3FD0];
	(tm) =	ssettm $0x1  }
0x8f: {  	s2 =	sld [smem:$0x3FFB];
	_ =	sdelay $0x3  }
0x90: {  	_ =	strace s2  }
0x91: {  	s2 =	sld [smem:$0x3FFC];
	_ =	sdelay $0x3  }
0x92: {  	_ =	strace s2  }
0x93: {  	s2 =	sld [smem:$0x3FFD];
	_ =	sdelay $0x3  }
0x94: {  	_ =	strace s2  }
0x95: {  	_ =	strace $0x8FFFFFFF  }
0x96: {  	s17 =	sld [smem:$0x3FDB];
	_ =	sdelay $0x1  }
0x97: {  	s3 =	simm.s32 $_scs_section_size  }
0x98: {  	s4 =	simm.s32 $_size__tile_overlayer_lowered;
	s5 =	simm.s32 $_tile_overlayer_lowered  }
0x99: {  	s20 =	simm.s32 $0x1BFF;
	s19 =	sshll.u32 s5, $0x1;
	s2 =	sadd.s32 s3, s17  }
0x9a: {  	s6 =	simm.s32 $0x0;
	s18 =	sshll.u32 s4, $0x1;
	s4 =	sadd.s32 s19, s2  }
0x9b: {  	[timem:s6], [sflag:s20] =	dma.local [hbm:s4], s18  }
0x9c: {  	_ =	swait.ge [sflag:s20], s18  }
0x9d: {  	s3 =	ssub.s32 $0x0, s18;
	[sflag:s20] =	ssyncset.done $0x0  }
0x9e: {  	[sflag:s20] =	ssyncadd.s32 s3;
	_ =	sdelay $0x1  }
0x9f: {  	s21 =	simm.s32 $0x1B8B  }
0xa0: {  	_ =	swait.ge [sflag:s21], $0x1  }
0xa1: {  	[sflag:s21] =	ssyncset.done $0x0  }
0xa2: {  	s23 =	simm.s32 $0x1B8E;
	s22 =	sld [smem:$0x3FFE];
	[sflag:s21] =	ssyncadd.s32 $0xFFFFFFFF  }
0xa3: {  	s24 =	simm.s32 $execute0_lowered;
	[smem:$0x3FD2] =	sst s23  }
0xa4: {  	s4 =	sshll.u32 s24, $0x1;
	_ =	strace $0x80000046;
	[dreg:$0x1] =	wrdreg $0xFFFFFFFF  }
0xa5: {  	s25 =	simm.s32 $_size_execute0_lowered;
	s2 =	sadd.s32 s2, s4;
	[dreg:$0x0] =	wrdreg $0x0  }
0xa6: {  	s4 =	sshll.u32 s25, $0x1;
	[dreg:$0x2] =	wrdreg s2  }
0xa7: {  	[dreg:$0x3] =	wrdreg s4  }
0xa8: {  	[dreg:$0x4] =	wrdreg $0xC0  }
0xa9: {  	_ =	task [dreg:s6], $0x5FFFF  }
0xaa: {  	[dreg:$0x1] =	wrdreg $0xFFFFFFFF  }
0xab: {  	[dreg:$0x0] =	wrdreg $0x60  }
0xac: {  	[dreg:$0x2] =	wrdreg s0  }
0xad: {  	[dreg:$0x3] =	wrdreg s22  }
0xae: {  	[dreg:$0x4] =	wrdreg s16  }
0xaf: {  	[dreg:$0x5] =	wrdreg $0x9  }
0xb0: {  	_ =	task.clear_ibuf [dreg:s6], $0x6FFFF;
	_ =	strace $0x90000046  }
0xb1: {  	s26 =	simm.s32 $0x9;
	_ =	strace $0x80000048  }
0xb2: {  	_ =	swait.ge [sflag:s26], $0x1  }
0xb3: {  	[sflag:s26] =	ssyncadd.s32 $0xFFFFFFFF  }
0xb4: {  	_ =	strace $0x90000048  }
0xb5: {  	_ =	sfence  }
0xb6: {  	s28 =	sld [smem:$0x0];
	_ =	sdelay $0x1  }
0xb7: {  	s29 =	srdreg.scid  }
0xb8: {  	s30 =	sshll.u32 s29, $0xD;
	s31 =	sshrl.u32 s29, $0x2  }
0xb9: {  	s1 =	sand.u32 $0x1, s29;
	s2 =	sand.u32 $0x4000, s30;
	s0 =	sadd.s32 s31, s28  }
0xba: {  	s1 =	sor.u32 s2, s1;
	s0 =	sshll.u32 s0, $0x11  }
0xbb: {  	s0 =	sor.u32 s0, s1  }
0xbc: {  	s0 =	sadd.s32 $0x8F2B, s0  }
0xbd: {  	[sflag:s0] =	ssyncadd.remote.s32 $0x1  }
0xbe: {  	_ =	sfence.sel $0xFFFF  }
0xbf: {  	[dreg:$0x0] =	wrdreg $0xFFFFFFFF;
	(pc) =	sbr.abs _section_cstart, $3  }
0xc0: {  	[dreg:$0x1] =	wrdreg $0xFFFFFFFF  }
0xc1: {  	_ =	task.clear_ibuf [dreg:s6], $0x2FFFF;
	_ =	strace $0x9FFFFFFF  }
0xc2: {  	(tm) =	ssettm $0x7FFFFFFF  }
0xc3: {  	_ =	shalt  }
tec
execute0_lowered:
.L_overlay_start_1:
0x0: {  	(tag) =	ssettag $0x1  }
0x1: {  	s0 =	stileid.u32  }
0x2: {  	s1 =	smin.u32 s0, $0x9  }
0x3: {  	s1 =	sadd.s32 s0, s1  }
0x4: {  	s2 =	simm.s32 $0x320;
	p0 =	slt.u32 s0, $0x9;
	s1 =	smul.u32 $0x190, s1  }
0x5: {  	s2 =	simm.s32 @!p0 $0x190  }
0x6: {  	s2 =	sadd.s32 s2, s1  }
0x7: {  	s3 =	smin.u32 s2, $0x2710  }
0x8: {  	s7 =	ssub.s32 s3, s1  }
0x9: {  	p0 =	sgt.s32 s7, $0x0  }
0xa: {  	s7 =	simm.s32 @!p0 $0x0  }
0xb: {  	s31 =	sand.u32 $0xFFF0, s7  }
0xc: {  	s4 =	rddreg [dreg:$0x0];
	s2 =	sshrl.u32 s31, $0x4  }
0xd: {  	s9 =	rddreg [dreg:$0x1];
	s2 =	smul.u32 $0xA3E, s2  }
0xe: {  	s5 =	rddreg [dreg:$0x2]  }
0xf: {  	s6 =	simm.s32 $0x1;
	s11 =	simm.s32 $0x3;
	s8 =	sshrl.u32 s2, $0x10  }
0x10: {  	s13 =	simm.s32 $0x0;
	s12 =	simm.s32 $0x0;
	s10 =	smul.u32 $0x190, s8  }
.Ltmp0:
0x11: {  	s9 =	sadd.s32 $0xA00, s9;
	s2 =	rddreg [dreg:$0x3];
	(pc) =	sbr.rel .LBB2_1-.Ltmp0, $4  }
0x12: {  	_ =	strace $0x80000047;
	p0 =	sne.s32 s7, s10;
	s10 =	simm.s32 $0x1  }
0x13: {  	[sflag:s6] =	ssyncpa.u1 $0x0;
	s7 =	simm.s32 $0x2;
	s10 =	simm.s32 @!p0 $0x0  }
0x14: {  	[sflag:s7] =	ssyncpa.u1 $0x0;
	p0 =	por $0x0, $0x0;
	s8 =	sadd.s32 s8, s10  }
0x15: {  	vm0 =	vmmov $0xff;
	vm1 =	vcmask $0x3F20;
	[sflag:s11] =	ssyncpa.u1 $0x0;
	s11 =	smov.u32 s1;
	s10 =	sadd.s32 $0x1, s8  }
.LBB2_6:
0x16: {  	[hbm:s17] =	stream.linear.scatter [tilespmem:s14], [sflag:$0x3], $0x400, $0x38;
	[tilespmem:$0x19320] =	vst v63  }
.LBB2_7:
0x17: {  	s13 =	sadd.s32 $0x190, s11  }
0x18: {  	s15 =	smov.u32 s1;
	p2 =	slt.s32 s13, s3  }
0x19: {  	s15 =	smov.u32 @p2 s13;
	p2 =	sne.s32 s12, s10  }
.Ltmp1:
0x1a: {  	p1 =	slt.u32 s12, $0x2;
	(pc) =	sbr.rel @!p2 .LBB2_8-.Ltmp1, $4  }
0x1b: {  	s14 =	simm.s32 @!p1 $0x3  }
0x1c: {  	s16 =	sadd.s32 $0x1, s12;
	_ =	swait.ge @!p1 [sflag:s14], $0xC800  }
0x1d: {  	p0 =	por !p0, !p0;
	s13 =	smov.u32 s11;
	[sflag:s14] =	ssyncset.done @!p1 $0x0  }
0x1e: {  	s12 =	smov.u32 s16;
	s11 =	smov.u32 s15;
	[sflag:s14] =	ssyncadd.s32 @!p1 $0xFFFF3800  }
.LBB2_1:
0x1f: {  	p1 =	sge.u32 s12, s8  }
0x20: {  	s14 =	sxor.u32 @!p1 $0xFFFFFFFF, s12  }
0x21: {  	s14 =	sand.u32 @!p1 $0x1, s14  }
0x22: {  	s14 =	smul.u32 @!p1 $0x640, s14  }
0x23: {  	s31 =	sadd.s32 $0xFFFFFFFF, s12;
	s15 =	sshrl.u32 @!p1 s11, $0x3  }
0x24: {  	s16 =	sand.u32 @!p1 $0x7, s11;
	s15 =	sadd.s32 @!p1 s9, s15;
	s14 =	sshrl.u32 @!p1 s14, $0x2  }
0x25: {  	[tilespmem:s14], [sflag:$0x2] =	stream.linear.gather @!p1 [hbm4b:s15+s16], $0x190, $0x38;
	[tilespmem:$0x19320] =	vst v63  }
0x26: {  	p1 =	sge.u32 s31, s8  }
.Ltmp2:
0x27: {  	_ = 	snop;
	(pc) =	sbr.rel @p1 .LBB2_7-.Ltmp2, $1  }
0x28: {  	_ =	sdelay $0x3  }
0x29: {  	s14 =	simm.s32 $0x1  }
0x2a: {  	s14 =	simm.s32 @!p0 $0x0  }
0x2b: {  	s15 =	smul.u32 $0x640, s14  }
0x2c: {  	_ =	swait.ge [sflag:s7], $0x190  }
0x2d: {  	[sflag:s7] =	ssyncset.done $0x0;
	s16 =	sshrl.u32 s15, $0x2  }
0x2e: {  	[sflag:s7] =	ssyncadd.s32 $0xFFFFFE70;
	s15 =	sadd.s32 $0x0, s16  }
0x2f: {  	v0 =	vld.msk [tilespmem:s15+$0x0 ss:$0x1], $0xffff;
	_ =	sdelay $0x4  }
0x30: {  	vm2 =	vgt.s32 v0, $0x0  }
0x31: {  	v0 =	vnsel vm2, $0x0, v0  }
0x32: {  	v0 =	vmin.u32 v0, $0x270F  }
0x33: {  	v0 =	vshll.u32 v0, $0x4  }
0x34: {  	s14 =	smul.u32 $0x32000, s14;
	_ =	sdelay $0x1  }
0x35: {  	s14 =	sshrl.u32 s14, $0x2  }
0x36: {  	s14 =	sor.u32 $0x320, s14  }
0x37: {  	[tilespmem:s14], [sflag:$0x1] =	stream.indirect_vreg.gather [hbm:s4], $0x80, v0, vm0, $0x38;
	[tilespmem:$0x19320] =	vst v63  }
0x38: {  	s17 =	sadd.s32 $0x10, s16;
	s15 =	sadd.s32 $0x400, s14  }
0x39: {  	[tilespmem:s15], [sflag:$0x1] =	stream.indirect_vreg.gather [hbm:s4], $0x80, v0, vm1, $0x38;
	[tilespmem:$0x19320] =	vst v63  }
0x3a: {  	s18 =	simm.s32 $0x80;
	v0 =	vld.msk [tilespmem:s17+$0x0 ss:$0x1], $0xffff;
	s17 =	smov.u32 s14  }
.LBB2_3:
0x3b: {  	p1 =	sne.s32 s18, $0x600;
	_ =	sdelay $0x4  }
0x3c: {  	vm2 =	vgt.s32 v0, $0x0  }
0x3d: {  	v0 =	vnsel vm2, $0x0, v0  }
0x3e: {  	v0 =	vmin.u32 v0, $0x270F  }
0x3f: {  	v0 =	vshll.u32 v0, $0x4;
	_ =	sdelay $0x3  }
.Ltmp3:
0x40: {  	s19 =	sshra.s32 s18, $0x2;
	s17 =	sadd.s32 $0x800, s17;
	(pc) =	sbr.rel @p1 .LBB2_3-.Ltmp3, $4  }
0x41: {  	[tilespmem:s17], [sflag:$0x1] =	stream.indirect_vreg.gather [hbm:s4], $0x80, v0, vm0, $0x38;
	[tilespmem:$0x19320] =	vst v63  }
0x42: {  	s19 =	sadd.s32 s19, s16;
	s20 =	sadd.s32 $0x400, s17  }
0x43: {  	[tilespmem:s20], [sflag:$0x1] =	stream.indirect_vreg.gather [hbm:s4], $0x80, v0, vm1, $0x38;
	[tilespmem:$0x19320] =	vst v63  }
0x44: {  	s18 =	sadd.s32 $0x40, s18;
	v0 =	vld.msk [tilespmem:s19+$0x0 ss:$0x1], $0xffff  }
0x45: {  	_ =	sdelay $0x3  }
0x46: {  	vm2 =	vgt.s32 v0, $0x0  }
0x47: {  	v0 =	vnsel vm2, $0x0, v0  }
0x48: {  	v0 =	vmin.u32 v0, $0x270F  }
0x49: {  	v0 =	vshll.u32 v0, $0x4;
	_ =	sdelay $0x3  }
0x4a: {  	s16 =	sadd.s32 $0x800, s17  }
0x4b: {  	[tilespmem:s16], [sflag:$0x1] =	stream.indirect_vreg.gather [hbm:s4], $0x80, v0, vm0, $0x38;
	[tilespmem:$0x19320] =	vst v63  }
0x4c: {  	s16 =	sadd.s32 $0x400, s16  }
0x4d: {  	[tilespmem:s16], [sflag:$0x1] =	stream.indirect_vreg.gather [hbm:s4], $0x80, v0, vm1, $0x38;
	[tilespmem:$0x19320] =	vst v63  }
0x4e: {  	s13 =	sshll.u32 s13, $0x4;
	_ =	swait.ge [sflag:s6], $0xC800  }
0x4f: {  	s13 =	sadd.s32 s13, s5;
	[sflag:s6] =	ssyncset.done $0x0  }
0x50: {  	s17 =	sadd.s32 $0x0, s13;
	s16 =	simm.s32 $0x80;
	[sflag:s6] =	ssyncadd.s32 $0xFFFF3800  }
.LBB2_5:
0x51: {  	[hbm:s17] =	stream.linear.scatter [tilespmem:s14], [sflag:$0x3], $0x400, $0x38;
	[tilespmem:$0x19320] =	vst v63  }
0x52: {  	s17 =	smov.u32 s16;
	s14 =	smov.u32 s15;
	p1 =	sne.s32 s16, $0x1880  }
.Ltmp4:
0x53: {  	s16 =	sadd.s32 $0x80, s16;
	(pc) =	sbr.rel @p1 .LBB2_5-.Ltmp4, $2  }
0x54: {  	_ =	sdelay $0x2  }
0x55: {  	s15 =	sadd.s32 $0x400, s15;
	s17 =	sadd.s32 s17, s13  }
.Ltmp5:
0x56: {  	_ = 	snop;
	(pc) =	sbr.rel .LBB2_6-.Ltmp5, $1  }
0x57: {  	_ =	sdelay $0x3  }
.LBB2_8:
0x58: {  	_ =	sfence.sel $0x180000  }
0x59: {  	s1 =	simm.s32 $0x2;
	[bflag:$0x0] =	sbarrier.arrive $0xFFFF  }
0x5a: {  	s30 =	simm.s32 $0x3;
	[sflag:s1] =	ssyncpa.u1 $0x1  }
0x5b: {  	s31 =	simm.s32 $0x1;
	[sflag:s30] =	ssyncpa.u1 $0x1  }
0x5c: {  	[sflag:s31] =	ssyncpa.u1 $0x1  }
0x5d: {  	p0 =	sne.s32 s0, $0x0;
	_ =	strace $0x90000047  }
0x5e: {  	s0 =	sadd.s32 @!p0 $0x100000, s2;
	[bflag:$0x2] =	sbarrier.arrive $0xFFFF  }
0x5f: {  	[sflag:s0] =	ssyncadd.tile.s32 @!p0 $0x1;
	_ =	shalt  }
.Lfunc_end2:
_tile_overlayer_lowered:
.L_overlay_start_2:
0x60: {  	(tag) =	ssettag $0x2  }
0x61: {  	s0 =	rddreg [dreg:$0x0];
	s2 =	stileid.u32  }
0x62: {  	s1 =	rddreg [dreg:$0x1];
	p0 =	sne.s32 s2, $0x0  }
0x63: {  	s3 =	rddreg [dreg:$0x2];
	[bflag:$0x3] =	sbarrier.arrive $0xFFFF;
	s2 =	simm.s32 @!p0 $0x1C01  }
0x64: {  	[timem:s3], [sflag:s2] =	dma.local @!p0 [hbm:s0], s1  }
0x65: {  	s0 =	simm.s32 @!p0 $0x1  }
0x66: {  	_ =	swait.ge @!p0 [sflag:s0], s1  }
0x67: {  	s1 =	ssub.s32 @!p0 $0x0, s1;
	[sflag:s0] =	ssyncset.done @!p0 $0x0  }
0x68: {  	[sflag:s0] =	ssyncadd.s32 @!p0 s1  }
0x69: {  	[bflag:$0x3] =	sbarrier.arrive $0xFFFF  }
0x6a: {  	_ =	shalt  }

</sc_bundles>
